<compile_context>
chip_gen: v7x
topology: tpu7x:2x2x1
jax: 0.10.2.dev20260603
libtpu: 0.0.44.dev20260713+nightly
codegen_flags: <defaults>
</compile_context>

<pallas_src>
import functools

import jax
import jax.numpy as jnp
from jax import lax
from jax.experimental import pallas as pl
from jax.experimental.pallas import tpu as pltpu
from jax.experimental.pallas import tpu_sc as plsc

L = 13
B = 2
S = 2048
D = 1024
BS = B * S

NC, NS = 2, 16
NW = NC * NS
TPW = BS // NW
CH = 32
NCH = TPW // CH
NBUF = 3

TOK_BLK = 1024
N_BLK = BS // TOK_BLK
WPB = TOK_BLK // TPW


def _router_idx_kernel(x_ref, w_ref, b_ref, out_ref):
    x = x_ref[0]
    logits = jnp.dot(x, w_ref[...], preferred_element_type=jnp.float32)
    logits = logits + b_ref[...][None, :]
    maxv = jnp.max(logits, axis=1, keepdims=True)
    lane = lax.broadcasted_iota(jnp.int32, logits.shape, 1)
    sel = jnp.where(logits == maxv, lane, L)
    amax = jnp.min(sel, axis=1).reshape(1, TOK_BLK)
    tok = pl.program_id(0) * TOK_BLK + lax.broadcasted_iota(
        jnp.int32, (1, TOK_BLK), 1)
    out_ref[...] = (amax * BS + tok).reshape(WPB, NCH, CH)


_idx_call = pl.pallas_call(
    _router_idx_kernel,
    grid=(N_BLK,),
    in_specs=[
        pl.BlockSpec((1, TOK_BLK, D), lambda i: (L - 1, i, 0)),
        pl.BlockSpec((D, L), lambda i: (0, 0)),
        pl.BlockSpec((L,), lambda i: (0,)),
    ],
    out_specs=pl.BlockSpec((WPB, NCH, CH), lambda i: (i, 0, 0)),
    out_shape=jax.ShapeDtypeStruct((NW, NCH, CH), jnp.int32),
)


def _gather_body(table_hbm, idx_hbm, out_hbm, idx_v, buf0, buf1, buf2,
                 g0, g1, g2, o0, o1, o2):
    wid = lax.axis_index("s") * NC + lax.axis_index("c")
    base = wid * TPW
    pltpu.sync_copy(idx_hbm.at[wid], idx_v)
    bufs = (buf0, buf1, buf2)
    gsems = (g0, g1, g2)
    osems = (o0, o1, o2)
    gh = [None] * NCH
    oh = [None] * NCH
    for c in range(min(NBUF, NCH)):
        gh[c] = pltpu.async_copy(table_hbm.at[idx_v.at[c]], bufs[c % NBUF],
                                 gsems[c % NBUF])
    for c in range(NCH):
        slot = c % NBUF
        gh[c].wait()
        oh[c] = pltpu.async_copy(
            bufs[slot], out_hbm.at[pl.ds(base + c * CH, CH)], osems[slot])
        nxt = c + NBUF
        if nxt < NCH:
            oh[c].wait()
            gh[nxt] = pltpu.async_copy(
                table_hbm.at[idx_v.at[nxt]], bufs[slot], gsems[slot])
    for c in range(max(0, NCH - NBUF), NCH):
        oh[c].wait()


@functools.lru_cache(maxsize=1)
def _gather_call():
    mesh = plsc.VectorSubcoreMesh(core_axis_name="c", subcore_axis_name="s")
    return pl.kernel(
        _gather_body,
        mesh=mesh,
        out_type=jax.ShapeDtypeStruct((BS, D), jnp.float32),
        scratch_types=[
            pltpu.VMEM((NCH, CH), jnp.int32),
            pltpu.VMEM((CH, D), jnp.float32),
            pltpu.VMEM((CH, D), jnp.float32),
            pltpu.VMEM((CH, D), jnp.float32),
            pltpu.SemaphoreType.DMA,
            pltpu.SemaphoreType.DMA,
            pltpu.SemaphoreType.DMA,
            pltpu.SemaphoreType.DMA,
            pltpu.SemaphoreType.DMA,
            pltpu.SemaphoreType.DMA,
        ],
    )


def kernel(layer_outputs, W, b):
    flat = layer_outputs.reshape(L, BS, D)
    row_ids = _idx_call(flat, W, b)
    table = layer_outputs.reshape(L * BS, D)
    out = _gather_call()(table, row_ids)
    return out.reshape(B, S, D)

# --- scband reference (transcript-rebuilt; emitter-appended) ---
"""Pipeline reference for scband-router-top1-8718783611322 (READ-ONLY COPY).

The authoritative reference and input builder live on the scoring server;
editing this copy changes nothing except your own understanding.
"""

import jax, jax.numpy as jnp
import numpy as np

L = 13      # n_layer + 1
B = 2
S = 2048
D = 1024    # n_embd


def setup_inputs(seed: int = 0) -> dict:
    key = jax.random.key(seed)
    k1, k2, k3 = jax.random.split(key, 3)
    layer_outputs = jax.random.normal(k1, (L, B, S, D), dtype=jnp.float32)
    # router: nn.Linear(n_embd, n_layer + 1)
    bound = 1.0 / np.sqrt(D)
    W = jax.random.uniform(k2, (D, L), dtype=jnp.float32, minval=-bound, maxval=bound)
    b = jax.random.uniform(k3, (L,), dtype=jnp.float32, minval=-bound, maxval=bound)
    return {"layer_outputs": layer_outputs, "W": W, "b": b}


def reference(layer_outputs, W, b):
    # stack = torch.stack(layer_outputs, dim=0)  -> already stacked: [L, B, S, D]
    stack_perm = jnp.transpose(layer_outputs, (1, 2, 0, 3))  # [B, S, L, D]
    # logits = self.router(layer_outputs[-1])
    logits = layer_outputs[-1] @ W + b                        # [B, S, L]
    indices = jnp.argmax(logits, axis=-1)                     # [B, S]
    gather_idx = jnp.broadcast_to(indices[:, :, None, None], (B, S, 1, D))
    selected = jnp.take_along_axis(stack_perm, gather_idx, axis=2)  # [B, S, 1, D]
    return jnp.squeeze(selected, axis=2)                       # [B, S, D]

if __name__ == "__main__":
    import jax
    _d = setup_inputs()
    print(jax.jit(kernel)(*tuple(_d.values())))

</pallas_src>

<mosaic_0001>
#map = affine_map<(d0, d1) -> (0, 0)>
#map1 = affine_map<(d0, d1) -> (0, 0, 0)>
module attributes {stable_mosaic.version = 14 : i64} {
  func.func @_gather_body(%arg0: i32, %arg1: i32, %arg2: memref<53248x1024xf32, #tpu.memory_space<hbm>>, %arg3: memref<32x4x32xi32, #tpu.memory_space<hbm>>, %arg4: memref<4096x1024xf32, #tpu.memory_space<hbm>>, %arg5: memref<4x32xi32, #tpu.memory_space<vmem>>, %arg6: memref<32x1024xf32, #tpu.memory_space<vmem>>, %arg7: memref<32x1024xf32, #tpu.memory_space<vmem>>, %arg8: memref<32x1024xf32, #tpu.memory_space<vmem>>, %arg9: memref<!tpu.dma_semaphore, #tpu.memory_space<semaphore_mem>>, %arg10: memref<!tpu.dma_semaphore, #tpu.memory_space<semaphore_mem>>, %arg11: memref<!tpu.dma_semaphore, #tpu.memory_space<semaphore_mem>>, %arg12: memref<!tpu.dma_semaphore, #tpu.memory_space<semaphore_mem>>, %arg13: memref<!tpu.dma_semaphore, #tpu.memory_space<semaphore_mem>>, %arg14: memref<!tpu.dma_semaphore, #tpu.memory_space<semaphore_mem>>) attributes {dimension_semantics = [#tpu.dimension_semantics<core_parallel>, #tpu.dimension_semantics<subcore_parallel>], iteration_bounds = array<i64: 2, 16>, scalar_prefetch = 0 : i64, scratch_operands = 10 : i64, tpu.core_type = #tpu.core_type<sc_vector_subcore>, window_params = [{transform_indices = #map}, {transform_indices = #map1}, {transform_indices = #map}]} {
    %mul3A = arith.constant 2 : i32
    %mul3A_0 = arith.muli %arg1, %mul3A : i32
    %add3A = arith.addi %mul3A_0, %arg0 : i32
    %mul3A_1 = arith.constant 128 : i32
    %mul3A_2 = arith.muli %add3A, %mul3A_1 : i32
    "tpu.region"() ({
      %run_scoped3A = tpu.sem_alloc : memref<!tpu.dma_semaphore, #tpu.memory_space<semaphore_mem>>
      %dma_start3A_97 = arith.constant 0 : i32
      %dma_start3A_98 = arith.constant 0 : i32
      %dma_start3A_99 = tpu.memref_slice %arg3[%add3A, %dma_start3A_97, %dma_start3A_98] : memref<32x4x32xi32, #tpu.memory_space<hbm>> -> memref<1x4x32xi32, #tpu.memory_space<hbm>>
      %dma_start3A_100 = tpu.memref_squeeze %dma_start3A_99 : memref<1x4x32xi32, #tpu.memory_space<hbm>> -> memref<4x32xi32, #tpu.memory_space<hbm>>
      %dma_start3A_101 = arith.constant 0 : i32
      %dma_start3A_102 = arith.constant 0 : i32
      %dma_start3A_103 = tpu.memref_slice %arg3[%add3A, %dma_start3A_101, %dma_start3A_102] : memref<32x4x32xi32, #tpu.memory_space<hbm>> -> memref<1x4x32xi32, #tpu.memory_space<hbm>>
      %dma_start3A_104 = tpu.memref_squeeze %dma_start3A_103 : memref<1x4x32xi32, #tpu.memory_space<hbm>> -> memref<4x32xi32, #tpu.memory_space<hbm>>
      tpu.enqueue_dma source(%dma_start3A_104 : memref<4x32xi32, #tpu.memory_space<hbm>>) target(%arg5 : memref<4x32xi32, #tpu.memory_space<vmem>>) target_semaphore(%run_scoped3A : memref<!tpu.dma_semaphore, #tpu.memory_space<semaphore_mem>>)
      %dma_wait3A_105 = arith.constant 0 : i32
      %dma_wait3A_106 = arith.constant 0 : i32
      %dma_wait3A_107 = tpu.memref_slice %arg3[%add3A, %dma_wait3A_105, %dma_wait3A_106] : memref<32x4x32xi32, #tpu.memory_space<hbm>> -> memref<1x4x32xi32, #tpu.memory_space<hbm>>
      %dma_wait3A_108 = tpu.memref_squeeze %dma_wait3A_107 : memref<1x4x32xi32, #tpu.memory_space<hbm>> -> memref<4x32xi32, #tpu.memory_space<hbm>>
      %dma_wait3A_109 = arith.constant 0 : i32
      %dma_wait3A_110 = arith.constant 0 : i32
      %dma_wait3A_111 = tpu.memref_slice %arg3[%add3A, %dma_wait3A_109, %dma_wait3A_110] : memref<32x4x32xi32, #tpu.memory_space<hbm>> -> memref<1x4x32xi32, #tpu.memory_space<hbm>>
      %dma_wait3A_112 = tpu.memref_squeeze %dma_wait3A_111 : memref<1x4x32xi32, #tpu.memory_space<hbm>> -> memref<4x32xi32, #tpu.memory_space<hbm>>
      tpu.wait_dma2 semaphore(%run_scoped3A : memref<!tpu.dma_semaphore, #tpu.memory_space<semaphore_mem>>) src(%dma_wait3A_112 : memref<4x32xi32, #tpu.memory_space<hbm>>) dst(%arg5 : memref<4x32xi32, #tpu.memory_space<vmem>>)
      tpu.yield
    }) : () -> ()
    %dma_start3A = arith.constant 0 : i32
    %dma_start3A_3 = arith.constant 0 : i32
    %dma_start3A_4 = tpu.memref_slice %arg5[%dma_start3A, %dma_start3A_3] : memref<4x32xi32, #tpu.memory_space<vmem>> -> memref<1x32xi32, #tpu.memory_space<vmem>>
    %dma_start3A_5 = tpu.memref_squeeze %dma_start3A_4 : memref<1x32xi32, #tpu.memory_space<vmem>> -> memref<32xi32, #tpu.memory_space<vmem>>
    %dma_start3A_6 = arith.constant 0 : i32
    %dma_start3A_7 = arith.constant 0 : i32
    %dma_start3A_8 = tpu.memref_slice %arg2[%dma_start3A_6, %dma_start3A_7] : memref<53248x1024xf32, #tpu.memory_space<hbm>> -> memref<53248x1024xf32, #tpu.memory_space<hbm>>
    tpu.enqueue_indirect_dma source(%dma_start3A_8 : memref<53248x1024xf32, #tpu.memory_space<hbm>>) target(%arg6 : memref<32x1024xf32, #tpu.memory_space<vmem>>) offsets(%dma_start3A_5 : memref<32xi32, #tpu.memory_space<vmem>>) semaphore(%arg9 : memref<!tpu.dma_semaphore, #tpu.memory_space<semaphore_mem>>)
    %dma_start3A_9 = arith.constant 1 : i32
    %dma_start3A_10 = arith.constant 0 : i32
    %dma_start3A_11 = tpu.memref_slice %arg5[%dma_start3A_9, %dma_start3A_10] : memref<4x32xi32, #tpu.memory_space<vmem>> -> memref<1x32xi32, #tpu.memory_space<vmem>>
    %dma_start3A_12 = tpu.memref_squeeze %dma_start3A_11 : memref<1x32xi32, #tpu.memory_space<vmem>> -> memref<32xi32, #tpu.memory_space<vmem>>
    %dma_start3A_13 = arith.constant 0 : i32
    %dma_start3A_14 = arith.constant 0 : i32
    %dma_start3A_15 = tpu.memref_slice %arg2[%dma_start3A_13, %dma_start3A_14] : memref<53248x1024xf32, #tpu.memory_space<hbm>> -> memref<53248x1024xf32, #tpu.memory_space<hbm>>
    tpu.enqueue_indirect_dma source(%dma_start3A_15 : memref<53248x1024xf32, #tpu.memory_space<hbm>>) target(%arg7 : memref<32x1024xf32, #tpu.memory_space<vmem>>) offsets(%dma_start3A_12 : memref<32xi32, #tpu.memory_space<vmem>>) semaphore(%arg10 : memref<!tpu.dma_semaphore, #tpu.memory_space<semaphore_mem>>)
    %dma_start3A_16 = arith.constant 2 : i32
    %dma_start3A_17 = arith.constant 0 : i32
    %dma_start3A_18 = tpu.memref_slice %arg5[%dma_start3A_16, %dma_start3A_17] : memref<4x32xi32, #tpu.memory_space<vmem>> -> memref<1x32xi32, #tpu.memory_space<vmem>>
    %dma_start3A_19 = tpu.memref_squeeze %dma_start3A_18 : memref<1x32xi32, #tpu.memory_space<vmem>> -> memref<32xi32, #tpu.memory_space<vmem>>
    %dma_start3A_20 = arith.constant 0 : i32
    %dma_start3A_21 = arith.constant 0 : i32
    %dma_start3A_22 = tpu.memref_slice %arg2[%dma_start3A_20, %dma_start3A_21] : memref<53248x1024xf32, #tpu.memory_space<hbm>> -> memref<53248x1024xf32, #tpu.memory_space<hbm>>
    tpu.enqueue_indirect_dma source(%dma_start3A_22 : memref<53248x1024xf32, #tpu.memory_space<hbm>>) target(%arg8 : memref<32x1024xf32, #tpu.memory_space<vmem>>) offsets(%dma_start3A_19 : memref<32xi32, #tpu.memory_space<vmem>>) semaphore(%arg11 : memref<!tpu.dma_semaphore, #tpu.memory_space<semaphore_mem>>)
    %dma_wait3A = arith.constant 0 : i32
    %dma_wait3A_23 = arith.constant 0 : i32
    %dma_wait3A_24 = tpu.memref_slice %arg5[%dma_wait3A, %dma_wait3A_23] : memref<4x32xi32, #tpu.memory_space<vmem>> -> memref<1x32xi32, #tpu.memory_space<vmem>>
    %dma_wait3A_25 = tpu.memref_squeeze %dma_wait3A_24 : memref<1x32xi32, #tpu.memory_space<vmem>> -> memref<32xi32, #tpu.memory_space<vmem>>
    %dma_wait3A_26 = arith.constant 0 : i32
    %dma_wait3A_27 = arith.constant 0 : i32
    %dma_wait3A_28 = tpu.memref_slice %arg2[%dma_wait3A_26, %dma_wait3A_27] : memref<53248x1024xf32, #tpu.memory_space<hbm>> -> memref<53248x1024xf32, #tpu.memory_space<hbm>>
    tpu.wait_indirect_dma semaphore(%arg9 : memref<!tpu.dma_semaphore, #tpu.memory_space<semaphore_mem>>) src(%dma_wait3A_28 : memref<53248x1024xf32, #tpu.memory_space<hbm>>) dst(%arg6 : memref<32x1024xf32, #tpu.memory_space<vmem>>)
    %add3A_29 = arith.constant 0 : i32
    %add3A_30 = arith.addi %mul3A_2, %add3A_29 : i32
    %dma_start3A_31 = arith.constant 0 : i32
    %dma_start3A_32 = tpu.memref_slice %arg4[%add3A_30, %dma_start3A_31] : memref<4096x1024xf32, #tpu.memory_space<hbm>> -> memref<32x1024xf32, #tpu.memory_space<hbm>>
    %dma_start3A_33 = arith.constant 0 : i32
    %dma_start3A_34 = tpu.memref_slice %arg4[%add3A_30, %dma_start3A_33] : memref<4096x1024xf32, #tpu.memory_space<hbm>> -> memref<32x1024xf32, #tpu.memory_space<hbm>>
    tpu.enqueue_dma source(%arg6 : memref<32x1024xf32, #tpu.memory_space<vmem>>) target(%dma_start3A_34 : memref<32x1024xf32, #tpu.memory_space<hbm>>) target_semaphore(%arg12 : memref<!tpu.dma_semaphore, #tpu.memory_space<semaphore_mem>>)
    %dma_wait3A_35 = arith.constant 0 : i32
    %dma_wait3A_36 = tpu.memref_slice %arg4[%add3A_30, %dma_wait3A_35] : memref<4096x1024xf32, #tpu.memory_space<hbm>> -> memref<32x1024xf32, #tpu.memory_space<hbm>>
    %dma_wait3A_37 = arith.constant 0 : i32
    %dma_wait3A_38 = tpu.memref_slice %arg4[%add3A_30, %dma_wait3A_37] : memref<4096x1024xf32, #tpu.memory_space<hbm>> -> memref<32x1024xf32, #tpu.memory_space<hbm>>
    tpu.wait_dma2 semaphore(%arg12 : memref<!tpu.dma_semaphore, #tpu.memory_space<semaphore_mem>>) src(%arg6 : memref<32x1024xf32, #tpu.memory_space<vmem>>) dst(%dma_wait3A_38 : memref<32x1024xf32, #tpu.memory_space<hbm>>)
    %dma_start3A_39 = arith.constant 3 : i32
    %dma_start3A_40 = arith.constant 0 : i32
    %dma_start3A_41 = tpu.memref_slice %arg5[%dma_start3A_39, %dma_start3A_40] : memref<4x32xi32, #tpu.memory_space<vmem>> -> memref<1x32xi32, #tpu.memory_space<vmem>>
    %dma_start3A_42 = tpu.memref_squeeze %dma_start3A_41 : memref<1x32xi32, #tpu.memory_space<vmem>> -> memref<32xi32, #tpu.memory_space<vmem>>
    %dma_start3A_43 = arith.constant 0 : i32
    %dma_start3A_44 = arith.constant 0 : i32
    %dma_start3A_45 = tpu.memref_slice %arg2[%dma_start3A_43, %dma_start3A_44] : memref<53248x1024xf32, #tpu.memory_space<hbm>> -> memref<53248x1024xf32, #tpu.memory_space<hbm>>
    tpu.enqueue_indirect_dma source(%dma_start3A_45 : memref<53248x1024xf32, #tpu.memory_space<hbm>>) target(%arg6 : memref<32x1024xf32, #tpu.memory_space<vmem>>) offsets(%dma_start3A_42 : memref<32xi32, #tpu.memory_space<vmem>>) semaphore(%arg9 : memref<!tpu.dma_semaphore, #tpu.memory_space<semaphore_mem>>)
    %dma_wait3A_46 = arith.constant 1 : i32
    %dma_wait3A_47 = arith.constant 0 : i32
    %dma_wait3A_48 = tpu.memref_slice %arg5[%dma_wait3A_46, %dma_wait3A_47] : memref<4x32xi32, #tpu.memory_space<vmem>> -> memref<1x32xi32, #tpu.memory_space<vmem>>
    %dma_wait3A_49 = tpu.memref_squeeze %dma_wait3A_48 : memref<1x32xi32, #tpu.memory_space<vmem>> -> memref<32xi32, #tpu.memory_space<vmem>>
    %dma_wait3A_50 = arith.constant 0 : i32
    %dma_wait3A_51 = arith.constant 0 : i32
    %dma_wait3A_52 = tpu.memref_slice %arg2[%dma_wait3A_50, %dma_wait3A_51] : memref<53248x1024xf32, #tpu.memory_space<hbm>> -> memref<53248x1024xf32, #tpu.memory_space<hbm>>
    tpu.wait_indirect_dma semaphore(%arg10 : memref<!tpu.dma_semaphore, #tpu.memory_space<semaphore_mem>>) src(%dma_wait3A_52 : memref<53248x1024xf32, #tpu.memory_space<hbm>>) dst(%arg7 : memref<32x1024xf32, #tpu.memory_space<vmem>>)
    %add3A_53 = arith.constant 32 : i32
    %add3A_54 = arith.addi %mul3A_2, %add3A_53 : i32
    %dma_start3A_55 = arith.constant 0 : i32
    %dma_start3A_56 = tpu.memref_slice %arg4[%add3A_54, %dma_start3A_55] : memref<4096x1024xf32, #tpu.memory_space<hbm>> -> memref<32x1024xf32, #tpu.memory_space<hbm>>
    %dma_start3A_57 = arith.constant 0 : i32
    %dma_start3A_58 = tpu.memref_slice %arg4[%add3A_54, %dma_start3A_57] : memref<4096x1024xf32, #tpu.memory_space<hbm>> -> memref<32x1024xf32, #tpu.memory_space<hbm>>
    tpu.enqueue_dma source(%arg7 : memref<32x1024xf32, #tpu.memory_space<vmem>>) target(%dma_start3A_58 : memref<32x1024xf32, #tpu.memory_space<hbm>>) target_semaphore(%arg13 : memref<!tpu.dma_semaphore, #tpu.memory_space<semaphore_mem>>)
    %dma_wait3A_59 = arith.constant 2 : i32
    %dma_wait3A_60 = arith.constant 0 : i32
    %dma_wait3A_61 = tpu.memref_slice %arg5[%dma_wait3A_59, %dma_wait3A_60] : memref<4x32xi32, #tpu.memory_space<vmem>> -> memref<1x32xi32, #tpu.memory_space<vmem>>
    %dma_wait3A_62 = tpu.memref_squeeze %dma_wait3A_61 : memref<1x32xi32, #tpu.memory_space<vmem>> -> memref<32xi32, #tpu.memory_space<vmem>>
    %dma_wait3A_63 = arith.constant 0 : i32
    %dma_wait3A_64 = arith.constant 0 : i32
    %dma_wait3A_65 = tpu.memref_slice %arg2[%dma_wait3A_63, %dma_wait3A_64] : memref<53248x1024xf32, #tpu.memory_space<hbm>> -> memref<53248x1024xf32, #tpu.memory_space<hbm>>
    tpu.wait_indirect_dma semaphore(%arg11 : memref<!tpu.dma_semaphore, #tpu.memory_space<semaphore_mem>>) src(%dma_wait3A_65 : memref<53248x1024xf32, #tpu.memory_space<hbm>>) dst(%arg8 : memref<32x1024xf32, #tpu.memory_space<vmem>>)
    %add3A_66 = arith.constant 64 : i32
    %add3A_67 = arith.addi %mul3A_2, %add3A_66 : i32
    %dma_start3A_68 = arith.constant 0 : i32
    %dma_start3A_69 = tpu.memref_slice %arg4[%add3A_67, %dma_start3A_68] : memref<4096x1024xf32, #tpu.memory_space<hbm>> -> memref<32x1024xf32, #tpu.memory_space<hbm>>
    %dma_start3A_70 = arith.constant 0 : i32
    %dma_start3A_71 = tpu.memref_slice %arg4[%add3A_67, %dma_start3A_70] : memref<4096x1024xf32, #tpu.memory_space<hbm>> -> memref<32x1024xf32, #tpu.memory_space<hbm>>
    tpu.enqueue_dma source(%arg8 : memref<32x1024xf32, #tpu.memory_space<vmem>>) target(%dma_start3A_71 : memref<32x1024xf32, #tpu.memory_space<hbm>>) target_semaphore(%arg14 : memref<!tpu.dma_semaphore, #tpu.memory_space<semaphore_mem>>)
    %dma_wait3A_72 = arith.constant 3 : i32
    %dma_wait3A_73 = arith.constant 0 : i32
    %dma_wait3A_74 = tpu.memref_slice %arg5[%dma_wait3A_72, %dma_wait3A_73] : memref<4x32xi32, #tpu.memory_space<vmem>> -> memref<1x32xi32, #tpu.memory_space<vmem>>
    %dma_wait3A_75 = tpu.memref_squeeze %dma_wait3A_74 : memref<1x32xi32, #tpu.memory_space<vmem>> -> memref<32xi32, #tpu.memory_space<vmem>>
    %dma_wait3A_76 = arith.constant 0 : i32
    %dma_wait3A_77 = arith.constant 0 : i32
    %dma_wait3A_78 = tpu.memref_slice %arg2[%dma_wait3A_76, %dma_wait3A_77] : memref<53248x1024xf32, #tpu.memory_space<hbm>> -> memref<53248x1024xf32, #tpu.memory_space<hbm>>
    tpu.wait_indirect_dma semaphore(%arg9 : memref<!tpu.dma_semaphore, #tpu.memory_space<semaphore_mem>>) src(%dma_wait3A_78 : memref<53248x1024xf32, #tpu.memory_space<hbm>>) dst(%arg6 : memref<32x1024xf32, #tpu.memory_space<vmem>>)
    %add3A_79 = arith.constant 96 : i32
    %add3A_80 = arith.addi %mul3A_2, %add3A_79 : i32
    %dma_start3A_81 = arith.constant 0 : i32
    %dma_start3A_82 = tpu.memref_slice %arg4[%add3A_80, %dma_start3A_81] : memref<4096x1024xf32, #tpu.memory_space<hbm>> -> memref<32x1024xf32, #tpu.memory_space<hbm>>
    %dma_start3A_83 = arith.constant 0 : i32
    %dma_start3A_84 = tpu.memref_slice %arg4[%add3A_80, %dma_start3A_83] : memref<4096x1024xf32, #tpu.memory_space<hbm>> -> memref<32x1024xf32, #tpu.memory_space<hbm>>
    tpu.enqueue_dma source(%arg6 : memref<32x1024xf32, #tpu.memory_space<vmem>>) target(%dma_start3A_84 : memref<32x1024xf32, #tpu.memory_space<hbm>>) target_semaphore(%arg12 : memref<!tpu.dma_semaphore, #tpu.memory_space<semaphore_mem>>)
    %dma_wait3A_85 = arith.constant 0 : i32
    %dma_wait3A_86 = tpu.memref_slice %arg4[%add3A_54, %dma_wait3A_85] : memref<4096x1024xf32, #tpu.memory_space<hbm>> -> memref<32x1024xf32, #tpu.memory_space<hbm>>
    %dma_wait3A_87 = arith.constant 0 : i32
    %dma_wait3A_88 = tpu.memref_slice %arg4[%add3A_54, %dma_wait3A_87] : memref<4096x1024xf32, #tpu.memory_space<hbm>> -> memref<32x1024xf32, #tpu.memory_space<hbm>>
    tpu.wait_dma2 semaphore(%arg13 : memref<!tpu.dma_semaphore, #tpu.memory_space<semaphore_mem>>) src(%arg7 : memref<32x1024xf32, #tpu.memory_space<vmem>>) dst(%dma_wait3A_88 : memref<32x1024xf32, #tpu.memory_space<hbm>>)
    %dma_wait3A_89 = arith.constant 0 : i32
    %dma_wait3A_90 = tpu.memref_slice %arg4[%add3A_67, %dma_wait3A_89] : memref<4096x1024xf32, #tpu.memory_space<hbm>> -> memref<32x1024xf32, #tpu.memory_space<hbm>>
    %dma_wait3A_91 = arith.constant 0 : i32
    %dma_wait3A_92 = tpu.memref_slice %arg4[%add3A_67, %dma_wait3A_91] : memref<4096x1024xf32, #tpu.memory_space<hbm>> -> memref<32x1024xf32, #tpu.memory_space<hbm>>
    tpu.wait_dma2 semaphore(%arg14 : memref<!tpu.dma_semaphore, #tpu.memory_space<semaphore_mem>>) src(%arg8 : memref<32x1024xf32, #tpu.memory_space<vmem>>) dst(%dma_wait3A_92 : memref<32x1024xf32, #tpu.memory_space<hbm>>)
    %dma_wait3A_93 = arith.constant 0 : i32
    %dma_wait3A_94 = tpu.memref_slice %arg4[%add3A_80, %dma_wait3A_93] : memref<4096x1024xf32, #tpu.memory_space<hbm>> -> memref<32x1024xf32, #tpu.memory_space<hbm>>
    %dma_wait3A_95 = arith.constant 0 : i32
    %dma_wait3A_96 = tpu.memref_slice %arg4[%add3A_80, %dma_wait3A_95] : memref<4096x1024xf32, #tpu.memory_space<hbm>> -> memref<32x1024xf32, #tpu.memory_space<hbm>>
    tpu.wait_dma2 semaphore(%arg12 : memref<!tpu.dma_semaphore, #tpu.memory_space<semaphore_mem>>) src(%arg6 : memref<32x1024xf32, #tpu.memory_space<vmem>>) dst(%dma_wait3A_96 : memref<32x1024xf32, #tpu.memory_space<hbm>>)
    return
  }
}

module attributes {stable_mosaic.version = 14 : i64} {
  func.func @_router_idx_kernel(%arg0: i32, %arg1: memref<1x1024x1024xf32, #tpu.memory_space<vmem>>, %arg2: memref<1024x13xf32, #tpu.memory_space<vmem>>, %arg3: memref<13xf32, #tpu.memory_space<vmem>>, %arg4: memref<8x4x32xi32, #tpu.memory_space<vmem>>) attributes {dimension_semantics = [#tpu.dimension_semantics<arbitrary>], iteration_bounds = array<i64: 4>, scalar_prefetch = 0 : i64, scratch_operands = 0 : i64, tpu.core_type = #tpu.core_type<tc>, window_params = [{transform_indices = @transform_0, window_bounds = array<i64: 1, 1024, 1024>}, {pipeline_mode = #tpu.pipeline_mode<synchronous>, transform_indices = @transform_1, window_bounds = array<i64: 1024, 13>}, {pipeline_mode = #tpu.pipeline_mode<synchronous>, transform_indices = @transform_2, window_bounds = array<i64: 13>}, {transform_indices = @transform_3, window_bounds = array<i64: 8, 4, 32>}]} {
    %get3A = arith.constant 0 : index
    %get3A_0 = arith.constant 0 : index
    %get3A_1 = arith.constant 0 : index
    %get3A_2 = vector.load %arg1[%get3A, %get3A_0, %get3A_1] : memref<1x1024x1024xf32, #tpu.memory_space<vmem>>, vector<1x1024x1024xf32>
    %get3A_3 = vector.shape_cast %get3A_2 : vector<1x1024x1024xf32> to vector<1024x1024xf32>
    %get3A_4 = arith.constant 0 : index
    %get3A_5 = arith.constant 0 : index
    %get3A_6 = vector.load %arg2[%get3A_4, %get3A_5] : memref<1024x13xf32, #tpu.memory_space<vmem>>, vector<1024x13xf32>
    %dot_general3A = arith.constant dense<0.000000e+00> : vector<1024x13xf32>
    %dot_general3A_7 = tpu.matmul %get3A_3, %get3A_6, %dot_general3A {dimension_numbers = #tpu.dot_dimension_numbers<[1], [0], [0], [1], [0, 0, 1, 1], [], []>, transpose_lhs_hint = false} : vector<1024x1024xf32>, vector<1024x13xf32>, vector<1024x13xf32> -> vector<1024x13xf32>
    %get3A_8 = arith.constant 0 : index
    %get3A_9 = vector.load %arg3[%get3A_8] : memref<13xf32, #tpu.memory_space<vmem>>, vector<13xf32>
    %broadcast_in_dim3A = vector.shape_cast %get3A_9 : vector<13xf32> to vector<1x13xf32>
    %add3A = vector.broadcast %broadcast_in_dim3A : vector<1x13xf32> to vector<1024x13xf32>
    %add3A_10 = arith.addf %dot_general3A_7, %add3A : vector<1024x13xf32>
    %reduce_max3A = arith.constant dense<0xFF800000> : vector<1024xf32>
    %reduce_max3A_11 = vector.multi_reduction <maximumf>, %add3A_10, %reduce_max3A [1] : vector<1024x13xf32> to vector<1024xf32>
    %broadcast_in_dim3A_12 = vector.shape_cast %reduce_max3A_11 : vector<1024xf32> to vector<1024x1xf32>
    %iota3A = tpu.iota {dimensions = array<i32: 1>} : vector<1024x13xi32>
    %eq3A = vector.broadcast %broadcast_in_dim3A_12 : vector<1024x1xf32> to vector<1024x13xf32>
    %eq3A_13 = arith.cmpf oeq, %add3A_10, %eq3A : vector<1024x13xf32>
    %jit3A = arith.constant 13 : i32
    %broadcast_in_dim3A_14 = vector.broadcast %jit3A : i32 to vector<1024x13xi32>
    %select_n3A = arith.select %eq3A_13, %iota3A, %broadcast_in_dim3A_14 : vector<1024x13xi1>, vector<1024x13xi32>
    %reduce_min3A = arith.constant dense<2147483647> : vector<1024xi32>
    %reduce_min3A_15 = vector.multi_reduction <minsi>, %select_n3A, %reduce_min3A [1] : vector<1024x13xi32> to vector<1024xi32>
    %reshape3A = vector.shape_cast %reduce_min3A_15 : vector<1024xi32> to vector<1x1024xi32>
    %mul3A = arith.constant 1024 : i32
    %mul3A_16 = arith.muli %arg0, %mul3A : i32
    %iota3A_17 = tpu.iota {dimensions = array<i32: 1>} : vector<1x1024xi32>
    %add3A_18 = vector.broadcast %mul3A_16 : i32 to vector<1x1024xi32>
    %add3A_19 = arith.addi %add3A_18, %iota3A_17 : vector<1x1024xi32>
    %mul3A_20 = arith.constant 4096 : i32
    %mul3A_21 = vector.broadcast %mul3A_20 : i32 to vector<1x1024xi32>
    %mul3A_22 = arith.muli %reshape3A, %mul3A_21 : vector<1x1024xi32>
    %add3A_23 = arith.addi %mul3A_22, %add3A_19 : vector<1x1024xi32>
    %reshape3A_24 = vector.shape_cast %add3A_23 : vector<1x1024xi32> to vector<8x4x32xi32>
    %swap3A = arith.constant 0 : index
    %swap3A_25 = arith.constant 0 : index
    %swap3A_26 = arith.constant 0 : index
    %swap3A_27 = vector.load %arg4[%swap3A, %swap3A_25, %swap3A_26] : memref<8x4x32xi32, #tpu.memory_space<vmem>>, vector<8x4x32xi32>
    tpu.vector_store %arg4[%swap3A, %swap3A_25, %swap3A_26], %reshape3A_24 {strides = array<i32>} : memref<8x4x32xi32, #tpu.memory_space<vmem>>, vector<8x4x32xi32>,
    return
  }
  func.func @transform_0(%arg0: i32) -> (i32, i32, i32) {
    %c12_i32 = arith.constant 12 : i32
    %c0_i32 = arith.constant 0 : i32
    %c0_i32_0 = arith.constant 0 : i32
    return %c12_i32, %arg0, %c0_i32 : i32, i32, i32
  }
  func.func @transform_1(%arg0: i32) -> (i32, i32) {
    %c0_i32 = arith.constant 0 : i32
    %c0_i32_0 = arith.constant 0 : i32
    %c0_i32_1 = arith.constant 0 : i32
    return %c0_i32, %c0_i32_0 : i32, i32
  }
  func.func @transform_2(%arg0: i32) -> i32 {
    %c0_i32 = arith.constant 0 : i32
    %c0_i32_0 = arith.constant 0 : i32
    return %c0_i32 : i32
  }
  func.func @transform_3(%arg0: i32) -> (i32, i32, i32) {
    %c0_i32 = arith.constant 0 : i32
    %c0_i32_0 = arith.constant 0 : i32
    %c0_i32_1 = arith.constant 0 : i32
    return %arg0, %c0_i32, %c0_i32_0 : i32, i32, i32
  }
}

</mosaic_0001>

<sc_bundles>
// kernel: kernel.4.cloned.1.call-start
scs
__scs_entry_jumppad:
0x0: {  	(pc) =	sbr.rel $0x88, $3  }
0x1: {  	(tag) =	ssettag $0x0;
	lr =	simm.s32 $0x1  }
0x2: {  	[smem:$0x3F9E] =	sst lr;
	_ =	strace $0xD0000000  }
0x3: {  	_ = 	snop  }
0x4: {  	_ = 	snop  }
0x5: {  	_ = 	snop  }
0x6: {  	_ = 	snop  }
0x7: {  	_ = 	snop  }
__scs_overlays_trampoline_lowered:
0x8: {  	[smem:$0x3FAD] =	sst s0  }
0x9: {  	[smem:$0x3FAE] =	sst s1  }
0xa: {  	[smem:$0x3FAF] =	sst s2  }
0xb: {  	[smem:$0x3FB0] =	sst s3  }
0xc: {  	[smem:$0x3FB1] =	sst s4  }
0xd: {  	[smem:$0x3FB2] =	sst s5  }
0xe: {  	[smem:$0x3FB3] =	sst s6  }
0xf: {  	[smem:$0x3FB4] =	sst s7  }
0x10: {  	[smem:$0x3FB5] =	sst s8  }
0x11: {  	[smem:$0x3FB6] =	sst s9;
	s0 =	simm.s32 @!p0 $0x0  }
0x12: {  	s1 =	sld [smem:$0x3F9C];
	s0 =	simm.s32 @p0 $0x1  }
0x13: {  	[smem:$0x3FB7] =	sst s0;
	s0 =	simm.s32 @!p1 $0x0  }
0x14: {  	s2 =	sld [smem:$0x3F9B];
	s0 =	simm.s32 @p1 $0x1  }
0x15: {  	[smem:$0x3FB8] =	sst s0;
	s0 =	simm.s32 @!p2 $0x0  }
0x16: {  	s3 =	sld [smem:$0x3FDB];
	s0 =	simm.s32 @p2 $0x1  }
0x17: {  	s4 =	simm.s32 $0x1BF5;
	[smem:$0x3FBA] =	sst s0  }
0x18: {  	s0 =	sld [smem:$0x3F9D];
	_ =	swait.ge [sflag:s4], $0x0  }
0x19: {  	s7 =	sld [smem:$0x3F9E]  }
0x1a: {  	s8 =	sadd.s32 $0xFFFFE003, lr  }
0x1b: {  	s9 =	sadd.s32 $0xFFFFFEF7, lr;
	s5 =	simm.s32 $0xFFFFFFFF;
	p2 =	slt.u32 s8, $0xFFFFF086  }
0x1c: {  	p1 =	slt.u32 s9, $0xF7A;
	s5 =	simm.s32 @!p2 $0x0  }
0x1d: {  	s5 =	simm.s32 @p1 $0x1;
	p0 =	seq.s32 s7, s2  }
0x1e: {  	s7 =	smul.u32 @!p0 $0xF7A, s2;
	p2 =	seq.s32 @!p0 s5, $0x0  }
0x1f: {  	s9 =	smul.u32 $0xF7A, s1;
	s8 =	simm.s32 @!p0 $0x1BF5;
	p2 =	por !p2, p0  }
0x20: {  	[sflag:s8] =	ssyncset.s32 @!p0 $0xFFFFF086;
	s6 =	sadd.s32 @!p0 s3, s7;
	s7 =	simm.s32 @!p0 $0x108  }
0x21: {  	s3 =	sadd.s32 s3, s9;
	s6 =	sadd.s32 @!p0 $0x88, s6;
	s7 =	simm.s32 @p2 $0x1082  }
0x22: {  	[simem:s7], [sflag:s8] =	dma.local @!p0 [hbm:s6], $0xF7A  }
0x23: {  	s9 =	sor.u32 $0xD0000000, s2;
	s6 =	simm.s32 $0x108;
	_ =	swait.ge @!p0 [sflag:s8], $0x0  }
0x24: {  	s3 =	sadd.s32 $0x88, s3;
	s6 =	simm.s32 @!p1 $0x1082;
	[sflag:s4] =	ssyncset.s32 $0xFFFFF086  }
0x25: {  	[simem:s6], [sflag:s4] =	dma.local [hbm:s3], $0xF7A  }
0x26: {  	[smem:$0x3F9E] =	sst s1;
	(tag) =	ssettag s2;
	_ =	strace s9  }
0x27: {  	s1 =	sld [smem:$0x3FAE]  }
0x28: {  	s2 =	sld [smem:$0x3FAF]  }
0x29: {  	s4 =	sld [smem:$0x3FB1]  }
0x2a: {  	p0 =	seq.s32 s5, $0x0;
	s5 =	sld [smem:$0x3FB2]  }
0x2b: {  	s6 =	sld [smem:$0x3FB3]  }
0x2c: {  	s7 =	sld [smem:$0x3FB4]  }
0x2d: {  	s3 =	simm.s32 $0x108;
	s8 =	sld [smem:$0x3FB5]  }
0x2e: {  	s3 =	simm.s32 @!p0 $0x1082;
	s9 =	sld [smem:$0x3FB6]  }
0x2f: {  	lr =	sadd.s32 s0, s3;
	s0 =	sld [smem:$0x3FAD]  }
0x30: {  	s3 =	sld [smem:$0x3FB0]  }
0x31: {  	[smem:$0x3FB9] =	sst s10  }
0x32: {  	s10 =	sld [smem:$0x3FB7];
	_ =	sdelay $0x3  }
0x33: {  	p0 =	seq.s32 s10, $0x1;
	s10 =	sld [smem:$0x3FB9];
	_ =	sdelay $0x3  }
0x34: {  	[smem:$0x3FB9] =	sst s10  }
0x35: {  	s10 =	sld [smem:$0x3FB8];
	_ =	sdelay $0x3  }
0x36: {  	p1 =	seq.s32 s10, $0x1;
	s10 =	sld [smem:$0x3FB9];
	_ =	sdelay $0x3  }
0x37: {  	[smem:$0x3FB9] =	sst s10  }
0x38: {  	s10 =	sld [smem:$0x3FBA]  }
0x39: {  	_ = 	snop;
	(pc) =	sbr.ind lr, $3  }
0x3a: {  	_ = 	snop  }
0x3b: {  	_ = 	snop  }
0x3c: {  	p2 =	seq.s32 s10, $0x1;
	s10 =	sld [smem:$0x3FB9]  }
0x3d: {  	_ =	shalt  }
0x3e: {  	_ =	shalt  }
0x3f: {  	_ =	shalt  }
0x40: {  	_ =	shalt  }
0x41: {  	_ =	shalt  }
0x42: {  	_ =	shalt  }
0x43: {  	_ =	shalt  }
0x44: {  	_ =	shalt  }
0x45: {  	_ =	shalt  }
0x46: {  	_ =	shalt  }
0x47: {  	_ =	shalt  }
0x48: {  	_ =	shalt  }
0x49: {  	_ =	shalt  }
0x4a: {  	_ =	shalt  }
0x4b: {  	_ =	shalt  }
0x4c: {  	_ =	shalt  }
0x4d: {  	_ =	shalt  }
0x4e: {  	_ =	shalt  }
0x4f: {  	_ =	shalt  }
0x50: {  	_ =	shalt  }
0x51: {  	_ =	shalt  }
0x52: {  	_ =	shalt  }
0x53: {  	_ =	shalt  }
0x54: {  	_ =	shalt  }
0x55: {  	_ =	shalt  }
0x56: {  	_ =	shalt  }
0x57: {  	_ =	shalt  }
0x58: {  	_ =	shalt  }
0x59: {  	_ =	shalt  }
0x5a: {  	_ =	shalt  }
0x5b: {  	_ =	shalt  }
0x5c: {  	_ =	shalt  }
0x5d: {  	_ =	shalt  }
0x5e: {  	_ =	shalt  }
0x5f: {  	_ =	shalt  }
0x60: {  	_ =	shalt  }
0x61: {  	_ =	shalt  }
0x62: {  	_ =	shalt  }
0x63: {  	_ =	shalt  }
0x64: {  	_ =	shalt  }
0x65: {  	_ =	shalt  }
0x66: {  	_ =	shalt  }
0x67: {  	_ =	shalt  }
0x68: {  	_ =	shalt  }
0x69: {  	_ =	shalt  }
0x6a: {  	_ =	shalt  }
0x6b: {  	_ =	shalt  }
0x6c: {  	_ =	shalt  }
0x6d: {  	_ =	shalt  }
0x6e: {  	_ =	shalt  }
0x6f: {  	_ =	shalt  }
0x70: {  	_ =	shalt  }
0x71: {  	_ =	shalt  }
0x72: {  	_ =	shalt  }
0x73: {  	_ =	shalt  }
0x74: {  	_ =	shalt  }
0x75: {  	_ =	shalt  }
0x76: {  	_ =	shalt  }
0x77: {  	_ =	shalt  }
0x78: {  	_ =	shalt  }
0x79: {  	_ =	shalt  }
0x7a: {  	_ =	shalt  }
0x7b: {  	_ =	shalt  }
0x7c: {  	_ =	shalt  }
0x7d: {  	_ =	shalt  }
0x7e: {  	_ =	shalt  }
0x7f: {  	_ =	shalt  }
0x80: {  	_ =	shalt  }
0x81: {  	_ =	shalt  }
0x82: {  	_ =	shalt  }
0x83: {  	_ =	shalt  }
0x84: {  	_ =	shalt  }
0x85: {  	_ =	shalt  }
0x86: {  	_ =	shalt  }
0x87: {  	_ =	shalt  }
.Lfunc_end0:
.L_simem_size_0:
called_computation_lowered:
.L_overlay_start_0:
0x88: {  	s2 =	sld [smem:$0x3FD9]  }
0x89: {  	s3 =	sld [smem:$0x3FFE];
	_ =	sdelay $0x1  }
0x8a: {  	s1 =	srdreg.scid  }
0x8b: {  	s0 =	sand.u32 $0x1, s1  }
0x8c: {  	s17 =	sshll.u32 s0, $0xA;
	s2 =	sadd.s32 s3, s2  }
0x8d: {  	s2 =	sadd.s32 s2, s17  }
0x8e: {  	[smem:$0x3FC5] =	sst s2  }
0x8f: {  	_ = 	snop  }
0x90: {  	s2 =	sld [smem:$0x3FC9]  }
0x91: {  	s18 =	sld [smem:$0x3FD0];
	(tm) =	ssettm $0x1  }
0x92: {  	s4 =	sld [smem:$0x3FFB];
	_ =	sdelay $0x3  }
0x93: {  	_ =	strace s4  }
0x94: {  	s4 =	sld [smem:$0x3FFC];
	_ =	sdelay $0x3  }
0x95: {  	_ =	strace s4  }
0x96: {  	s4 =	sld [smem:$0x3FFD];
	_ =	sdelay $0x3  }
0x97: {  	_ =	strace s4  }
0x98: {  	_ =	strace $0x8FFFFFFF  }
0x99: {  	s19 =	sld [smem:$0x3FDB];
	_ =	sdelay $0x1  }
0x9a: {  	s5 =	simm.s32 $_scs_section_size  }
0x9b: {  	s6 =	simm.s32 $_size__tile_overlayer_lowered;
	s7 =	simm.s32 $_tile_overlayer_lowered  }
0x9c: {  	s22 =	simm.s32 $0x1BFF;
	s21 =	sshll.u32 s7, $0x1;
	s4 =	sadd.s32 s5, s19  }
0x9d: {  	s8 =	simm.s32 $0x0;
	s20 =	sshll.u32 s6, $0x1;
	s6 =	sadd.s32 s21, s4  }
0x9e: {  	[timem:s8], [sflag:s22] =	dma.local [hbm:s6], s20  }
0x9f: {  	_ =	swait.ge [sflag:s22], s20  }
0xa0: {  	s5 =	ssub.s32 $0x0, s20;
	[sflag:s22] =	ssyncset.done $0x0  }
0xa1: {  	[sflag:s22] =	ssyncadd.s32 s5;
	_ =	sdelay $0x1  }
0xa2: {  	s23 =	simm.s32 $0x1B8B  }
0xa3: {  	_ =	swait.ge [sflag:s23], $0x1  }
0xa4: {  	[sflag:s23] =	ssyncset.done $0x0  }
0xa5: {  	s25 =	simm.s32 $0x1B8E;
	s24 =	sld [smem:$0x3FFE];
	[sflag:s23] =	ssyncadd.s32 $0xFFFFFFFF  }
0xa6: {  	s26 =	simm.s32 $execute0_lowered;
	[smem:$0x3FD2] =	sst s25  }
0xa7: {  	s6 =	sshll.u32 s26, $0x1;
	_ =	strace $0x80000046;
	[dreg:$0x1] =	wrdreg $0xFFFFFFFF  }
0xa8: {  	s28 =	simm.s32 $_size_execute0_lowered;
	s4 =	sadd.s32 s4, s6;
	[dreg:$0x0] =	wrdreg $0x0  }
0xa9: {  	s6 =	sshll.u32 s28, $0x1;
	[dreg:$0x2] =	wrdreg s4  }
0xaa: {  	[dreg:$0x3] =	wrdreg s6  }
0xab: {  	[dreg:$0x4] =	wrdreg $0xC0  }
0xac: {  	_ =	task [dreg:s8], $0x5FFFF  }
0xad: {  	[dreg:$0x1] =	wrdreg $0xFFFFFFFF  }
0xae: {  	[dreg:$0x0] =	wrdreg $0x60  }
0xaf: {  	[dreg:$0x2] =	wrdreg s2  }
0xb0: {  	[dreg:$0x3] =	wrdreg s24  }
0xb1: {  	[dreg:$0x4] =	wrdreg s18  }
0xb2: {  	[dreg:$0x5] =	wrdreg $0x9  }
0xb3: {  	_ =	task.clear_ibuf [dreg:s8], $0x6FFFF;
	_ =	strace $0x90000046  }
0xb4: {  	s29 =	simm.s32 $0x9;
	_ =	strace $0x80000048  }
0xb5: {  	_ =	swait.ge [sflag:s29], $0x1  }
0xb6: {  	[sflag:s29] =	ssyncadd.s32 $0xFFFFFFFF  }
0xb7: {  	_ =	strace $0x90000048  }
0xb8: {  	_ =	sfence  }
0xb9: {  	s30 =	sld [smem:$0x0];
	_ =	sdelay $0x2  }
0xba: {  	s31 =	sshll.u32 s1, $0xD;
	s1 =	sshrl.u32 s1, $0x2  }
0xbb: {  	s3 =	sand.u32 $0x4000, s31;
	s1 =	sadd.s32 s1, s30  }
0xbc: {  	s0 =	sor.u32 s3, s0;
	s1 =	sshll.u32 s1, $0x11  }
0xbd: {  	s0 =	sor.u32 s1, s0  }
0xbe: {  	s0 =	sadd.s32 $0x8F2B, s0  }
0xbf: {  	[sflag:s0] =	ssyncadd.remote.s32 $0x1  }
0xc0: {  	_ =	sfence.sel $0xFFFF  }
0xc1: {  	[dreg:$0x0] =	wrdreg $0xFFFFFFFF;
	(pc) =	sbr.abs _section_cstart, $3  }
0xc2: {  	[dreg:$0x1] =	wrdreg $0xFFFFFFFF  }
0xc3: {  	_ =	task.clear_ibuf [dreg:s8], $0x2FFFF;
	_ =	strace $0x9FFFFFFF  }
0xc4: {  	(tm) =	ssettm $0x7FFFFFFF  }
0xc5: {  	_ =	shalt  }
tec
execute0_lowered:
.L_overlay_start_1:
0x0: {  	(tag) =	ssettag $0x1  }
0x1: {  	s1 =	rddreg [dreg:$0x0]  }
0x2: {  	s0 =	srdreg.scid;
	s3 =	stileid.u32  }
0x3: {  	s2 =	rddreg [dreg:$0x1];
	s0 =	sand.u32 $0x1, s0;
	s3 =	sshll.u32 s3, $0x1  }
0x4: {  	s4 =	rddreg [dreg:$0x2];
	s5 =	sor.u32 s0, s3;
	s3 =	simm.s32 $0x0  }
0x5: {  	s19 =	simm.s32 $0x8A00;
	[smem:$0x7FF] =	sst s3  }
0x6: {  	s20 =	simm.s32 $0x9200;
	_ =	strace $0x80000047;
	[dreg:$0x8] =	wrdreg s19  }
0x7: {  	s21 =	simm.s32 $0x9A00;
	[dreg:$0x9] =	wrdreg s20  }
0x8: {  	s22 =	simm.s32 $0xA200;
	[dreg:$0xa] =	wrdreg s21  }
0x9: {  	s23 =	simm.s32 $0xAA00;
	[dreg:$0xb] =	wrdreg s22  }
0xa: {  	s24 =	simm.s32 $0xB200;
	[dreg:$0xc] =	wrdreg s23  }
0xb: {  	s25 =	simm.s32 $0xBA00;
	[dreg:$0xd] =	wrdreg s24  }
0xc: {  	s26 =	simm.s32 $0xC200;
	[dreg:$0xe] =	wrdreg s25  }
0xd: {  	s7 =	simm.s32 $0xDA00;
	s8 =	simm.s32 $0xE200;
	[dreg:$0xf] =	wrdreg s26  }
0xe: {  	s9 =	simm.s32 $0xEA00;
	s10 =	simm.s32 $0xF200;
	[dreg:$0x12] =	wrdreg s7  }
0xf: {  	s11 =	simm.s32 $0xFA00;
	s12 =	simm.s32 $0x10A00;
	[dreg:$0x13] =	wrdreg s8  }
0x10: {  	s13 =	simm.s32 $0x11200;
	s14 =	simm.s32 $0x11A00;
	[dreg:$0x14] =	wrdreg s9  }
0x11: {  	s15 =	simm.s32 $0x12200;
	s29 =	simm.s32 $0x1;
	[dreg:$0x15] =	wrdreg s10  }
0x12: {  	s30 =	simm.s32 $0x4;
	s28 =	simm.s32 $0x7A00;
	[dreg:$0x16] =	wrdreg s11  }
0x13: {  	s31 =	simm.s32 $0x10200;
	s0 =	ssub.s32 $0x2, s0;
	[dreg:$0x17] =	wrdreg s12  }
0x14: {  	s6 =	sshll.u32 s5, $0x6;
	s5 =	sshll.u32 s5, $0xE;
	[dreg:$0x18] =	wrdreg s13  }
0x15: {  	s2 =	sadd.s32 s6, s2;
	s4 =	sadd.s32 s4, s5;
	[dreg:$0x19] =	wrdreg s14  }
0x16: {  	s5 =	simm.s32 $0xD200;
	s6 =	sshrl.u32 s0, $0x1;
	[dreg:$0x1a] =	wrdreg s15  }
0x17: {  	s7 =	sadd.s32 $0x300, s1;
	s10 =	simm.s32 $0x200;
	[smem:$0x7F7] =	sst s4  }
0x18: {  	s19 =	simm.s32 $0x14200;
	s20 =	simm.s32 $0x14A00;
	[dreg:$0x11] =	wrdreg s5  }
0x19: {  	s21 =	simm.s32 $0x15200;
	s22 =	simm.s32 $0x15A00;
	[dreg:$0x1e] =	wrdreg s19  }
0x1a: {  	s23 =	simm.s32 $0x16200;
	s24 =	simm.s32 $0x16A00;
	[dreg:$0x1f] =	wrdreg s20  }
0x1b: {  	s25 =	simm.s32 $0x17200;
	s26 =	simm.s32 $0x17A00;
	[smem:$0x7F8] =	sst s21  }
0x1c: {  	s13 =	simm.s32 $0xA00;
	s14 =	simm.s32 $0x1200;
	[smem:$0x7F9] =	sst s22  }
0x1d: {  	s15 =	simm.s32 $0x1A00;
	s2 =	sadd.s32 $0x800, s2;
	[smem:$0x7FA] =	sst s23  }
0x1e: {  	s16 =	sadd.s32 $0x1000, s4;
	s17 =	sadd.s32 $0x2000, s4;
	[smem:$0x7FB] =	sst s24  }
0x1f: {  	s18 =	sadd.s32 $0x3000, s4;
	s4 =	simm.s32 $0xCA00;
	[smem:$0x7FC] =	sst s25  }
0x20: {  	s0 =	ssub.s32 s0, s6;
	s5 =	sadd.s32 $0x100, s1;
	[smem:$0x7FD] =	sst s26  }
0x21: {  	s6 =	sadd.s32 $0x200, s1;
	s19 =	simm.s32 $0x3A00;
	[dreg:$0x4] =	wrdreg s2  }
0x22: {  	s20 =	simm.s32 $0x4200;
	s21 =	simm.s32 $0x4A00;
	[dreg:$0x5] =	wrdreg s16  }
0x23: {  	s22 =	simm.s32 $0x5200;
	s23 =	simm.s32 $0x5A00;
	[dreg:$0x6] =	wrdreg s17  }
0x24: {  	s24 =	simm.s32 $0x6200;
	s25 =	simm.s32 $0x6A00;
	[dreg:$0x7] =	wrdreg s18  }
0x25: {  	s26 =	simm.s32 $0x7200;
	[dreg:$0x10] =	wrdreg s4;
	s16 =	simm.s32 $0x12A00  }
0x26: {  	s8 =	smax.u32 s0, $0x1;
	s17 =	simm.s32 $0x13200;
	[dreg:$0x1b] =	wrdreg s16  }
0x27: {  	v2 =	vlaneseq.u32;
	s18 =	simm.s32 $0x13A00;
	s2 =	simm.s32 $0x3;
	[dreg:$0x1c] =	wrdreg s17  }
0x28: {  	vm0 =	vmmov $0xffff;
	v1 =	vshrl.u32 v2, $0x3;
	s0 =	simm.s32 $0x5;
	s4 =	simm.s32 $0x6;
	[dreg:$0x1d] =	wrdreg s18  }
0x29: {  	v0 =	vand.u32 $0x7, v2;
	v2 =	vor.u32 $0x8, v2;
	v1 =	vmul.u32 $0x8, v1;
	s16 =	simm.s32 $0x2200;
	s17 =	simm.s32 $0x2A00;
	s18 =	simm.s32 $0x3200  }
.LBB2_1:
0x2a: {  	s11 =	rddreg [dreg:$0x4];
	s9 =	simm.s32 $0x7  }
0x2b: {  	[tilespmem:s3], [sflag:$0x7] =	stream.linear.gather [hbm4b:s11+s3], $0x200, $0x38;
	[tilespmem:$0x18200] =	vst v63  }
0x2c: {  	_ =	swait.ge [sflag:s9], $0x200  }
0x2d: {  	[sflag:s9] =	ssyncset.done $0x0  }
0x2e: {  	[sflag:s9] =	ssyncadd.s32 $0xFFFFFE00  }
0x2f: {  	v3 =	vld [tilespmem:$0x0];
	_ =	sdelay $0x4  }
0x30: {  	v4 =	vshll.u32 v3, $0x3  }
0x31: {  	v3 =	vand.u32 $0x7, v3;
	v4 =	vand.u32 $0xFFFFFFC0, v4  }
0x32: {  	v3 =	vor.u32 v3, v4  }
0x33: {  	v4 =	vperm.xlane v3, v0;
	_ =	sdelay $0x1  }
0x34: {  	v4 =	vadd.s32 v1, v4;
	_ =	sdelay $0x4  }
0x35: {  	[tilespmem:s10], [sflag:$0x1] =	stream.indirect_vreg.gather [hbm4b:s1+s3], $0x80, v4, vm0, $0xb8;
	[tilespmem:$0x18200] =	vst v63  }
0x36: {  	v3 =	vperm.xlane v3, v2  }
0x37: {  	[tilespmem:s13], [sflag:$0x1] =	stream.indirect_vreg.gather [hbm4b:s5+s3], $0x80, v4, vm0, $0xb8;
	[tilespmem:$0x18200] =	vst v63  }
0x38: {  	v3 =	vadd.s32 v1, v3  }
0x39: {  	[tilespmem:s14], [sflag:$0x1] =	stream.indirect_vreg.gather [hbm4b:s6+s3], $0x80, v4, vm0, $0xb8;
	[tilespmem:$0x18200] =	vst v63  }
0x3a: {  	_ = 	snop  }
0x3b: {  	[tilespmem:s15], [sflag:$0x1] =	stream.indirect_vreg.gather [hbm4b:s7+s3], $0x80, v4, vm0, $0xb8;
	[tilespmem:$0x18200] =	vst v63  }
0x3c: {  	_ = 	snop  }
0x3d: {  	[tilespmem:s16], [sflag:$0x1] =	stream.indirect_vreg.gather [hbm4b:s1+s3], $0x80, v3, vm0, $0xb8;
	[tilespmem:$0x18200] =	vst v63  }
0x3e: {  	_ = 	snop  }
0x3f: {  	[tilespmem:s17], [sflag:$0x1] =	stream.indirect_vreg.gather [hbm4b:s5+s3], $0x80, v3, vm0, $0xb8;
	[tilespmem:$0x18200] =	vst v63  }
0x40: {  	_ = 	snop  }
0x41: {  	[tilespmem:s18], [sflag:$0x1] =	stream.indirect_vreg.gather [hbm4b:s6+s3], $0x80, v3, vm0, $0xb8;
	[tilespmem:$0x18200] =	vst v63  }
0x42: {  	_ = 	snop  }
0x43: {  	[tilespmem:s19], [sflag:$0x1] =	stream.indirect_vreg.gather [hbm4b:s7+s3], $0x80, v3, vm0, $0xb8;
	[tilespmem:$0x18200] =	vst v63  }
0x44: {  	v3 =	vld [tilespmem:$0x10];
	_ =	sdelay $0x4  }
0x45: {  	v57 =	vshll.u32 v3, $0x3  }
0x46: {  	v3 =	vand.u32 $0x7, v3;
	v4 =	vand.u32 $0xFFFFFFC0, v57  }
0x47: {  	v3 =	vor.u32 v3, v4  }
0x48: {  	v4 =	vperm.xlane v3, v0;
	_ =	sdelay $0x1  }
0x49: {  	v4 =	vadd.s32 v1, v4;
	_ =	sdelay $0x4  }
0x4a: {  	[tilespmem:s20], [sflag:$0x1] =	stream.indirect_vreg.gather [hbm4b:s1+s3], $0x80, v4, vm0, $0xb8;
	[tilespmem:$0x18200] =	vst v63  }
0x4b: {  	v3 =	vperm.xlane v3, v2  }
0x4c: {  	[tilespmem:s21], [sflag:$0x1] =	stream.indirect_vreg.gather [hbm4b:s5+s3], $0x80, v4, vm0, $0xb8;
	[tilespmem:$0x18200] =	vst v63  }
0x4d: {  	v3 =	vadd.s32 v1, v3  }
0x4e: {  	[tilespmem:s22], [sflag:$0x1] =	stream.indirect_vreg.gather [hbm4b:s6+s3], $0x80, v4, vm0, $0xb8;
	[tilespmem:$0x18200] =	vst v63  }
0x4f: {  	_ = 	snop  }
0x50: {  	[tilespmem:s23], [sflag:$0x1] =	stream.indirect_vreg.gather [hbm4b:s7+s3], $0x80, v4, vm0, $0xb8;
	[tilespmem:$0x18200] =	vst v63  }
0x51: {  	_ = 	snop  }
0x52: {  	[tilespmem:s24], [sflag:$0x1] =	stream.indirect_vreg.gather [hbm4b:s1+s3], $0x80, v3, vm0, $0xb8;
	[tilespmem:$0x18200] =	vst v63  }
0x53: {  	_ = 	snop  }
0x54: {  	[tilespmem:s25], [sflag:$0x1] =	stream.indirect_vreg.gather [hbm4b:s5+s3], $0x80, v3, vm0, $0xb8;
	[tilespmem:$0x18200] =	vst v63  }
0x55: {  	_ = 	snop  }
0x56: {  	[tilespmem:s26], [sflag:$0x1] =	stream.indirect_vreg.gather [hbm4b:s6+s3], $0x80, v3, vm0, $0xb8;
	[tilespmem:$0x18200] =	vst v63  }
0x57: {  	_ = 	snop  }
0x58: {  	[tilespmem:s28], [sflag:$0x1] =	stream.indirect_vreg.gather [hbm4b:s7+s3], $0x80, v3, vm0, $0xb8;
	[tilespmem:$0x18200] =	vst v63  }
0x59: {  	v3 =	vld [tilespmem:$0x80];
	_ =	sdelay $0x4  }
0x5a: {  	v58 =	vshll.u32 v3, $0x3  }
0x5b: {  	v3 =	vand.u32 $0x7, v3;
	v4 =	vand.u32 $0xFFFFFFC0, v58  }
0x5c: {  	v3 =	vor.u32 v3, v4  }
0x5d: {  	v4 =	vperm.xlane v3, v0;
	_ =	sdelay $0x1  }
0x5e: {  	v4 =	vadd.s32 v1, v4;
	_ =	sdelay $0x3  }
0x5f: {  	s9 =	simm.s32 $0x8200  }
0x60: {  	[tilespmem:s9], [sflag:$0x2] =	stream.indirect_vreg.gather [hbm4b:s1+s3], $0x80, v4, vm0, $0xb8;
	[tilespmem:$0x18200] =	vst v63  }
0x61: {  	s11 =	rddreg [dreg:$0x8];
	v3 =	vperm.xlane v3, v2  }
0x62: {  	[tilespmem:s11], [sflag:$0x2] =	stream.indirect_vreg.gather [hbm4b:s5+s3], $0x80, v4, vm0, $0xb8;
	[tilespmem:$0x18200] =	vst v63  }
0x63: {  	s12 =	rddreg [dreg:$0x9];
	v3 =	vadd.s32 v1, v3  }
0x64: {  	[tilespmem:s12], [sflag:$0x2] =	stream.indirect_vreg.gather [hbm4b:s6+s3], $0x80, v4, vm0, $0xb8;
	[tilespmem:$0x18200] =	vst v63  }
0x65: {  	s11 =	rddreg [dreg:$0xa]  }
0x66: {  	[tilespmem:s11], [sflag:$0x2] =	stream.indirect_vreg.gather [hbm4b:s7+s3], $0x80, v4, vm0, $0xb8;
	[tilespmem:$0x18200] =	vst v63  }
0x67: {  	s12 =	rddreg [dreg:$0xb]  }
0x68: {  	[tilespmem:s12], [sflag:$0x2] =	stream.indirect_vreg.gather [hbm4b:s1+s3], $0x80, v3, vm0, $0xb8;
	[tilespmem:$0x18200] =	vst v63  }
0x69: {  	s11 =	rddreg [dreg:$0xc]  }
0x6a: {  	[tilespmem:s11], [sflag:$0x2] =	stream.indirect_vreg.gather [hbm4b:s5+s3], $0x80, v3, vm0, $0xb8;
	[tilespmem:$0x18200] =	vst v63  }
0x6b: {  	s12 =	rddreg [dreg:$0xd]  }
0x6c: {  	[tilespmem:s12], [sflag:$0x2] =	stream.indirect_vreg.gather [hbm4b:s6+s3], $0x80, v3, vm0, $0xb8;
	[tilespmem:$0x18200] =	vst v63  }
0x6d: {  	s11 =	rddreg [dreg:$0xe]  }
0x6e: {  	[tilespmem:s11], [sflag:$0x2] =	stream.indirect_vreg.gather [hbm4b:s7+s3], $0x80, v3, vm0, $0xb8;
	[tilespmem:$0x18200] =	vst v63  }
0x6f: {  	v3 =	vld [tilespmem:$0x90];
	_ =	sdelay $0x4  }
0x70: {  	v59 =	vshll.u32 v3, $0x3  }
0x71: {  	v3 =	vand.u32 $0x7, v3;
	v4 =	vand.u32 $0xFFFFFFC0, v59  }
0x72: {  	v3 =	vor.u32 v3, v4  }
0x73: {  	v4 =	vperm.xlane v3, v0;
	_ =	sdelay $0x1  }
0x74: {  	v4 =	vadd.s32 v1, v4;
	_ =	sdelay $0x3  }
0x75: {  	s11 =	rddreg [dreg:$0xf]  }
0x76: {  	[tilespmem:s11], [sflag:$0x2] =	stream.indirect_vreg.gather [hbm4b:s1+s3], $0x80, v4, vm0, $0xb8;
	[tilespmem:$0x18200] =	vst v63  }
0x77: {  	s12 =	rddreg [dreg:$0x10];
	v3 =	vperm.xlane v3, v2  }
0x78: {  	[tilespmem:s12], [sflag:$0x2] =	stream.indirect_vreg.gather [hbm4b:s5+s3], $0x80, v4, vm0, $0xb8;
	[tilespmem:$0x18200] =	vst v63  }
0x79: {  	v3 =	vadd.s32 v1, v3;
	s11 =	rddreg [dreg:$0x11]  }
0x7a: {  	[tilespmem:s11], [sflag:$0x2] =	stream.indirect_vreg.gather [hbm4b:s6+s3], $0x80, v4, vm0, $0xb8;
	[tilespmem:$0x18200] =	vst v63  }
0x7b: {  	s12 =	rddreg [dreg:$0x12]  }
0x7c: {  	[tilespmem:s12], [sflag:$0x2] =	stream.indirect_vreg.gather [hbm4b:s7+s3], $0x80, v4, vm0, $0xb8;
	[tilespmem:$0x18200] =	vst v63  }
0x7d: {  	s11 =	rddreg [dreg:$0x13]  }
0x7e: {  	[tilespmem:s11], [sflag:$0x2] =	stream.indirect_vreg.gather [hbm4b:s1+s3], $0x80, v3, vm0, $0xb8;
	[tilespmem:$0x18200] =	vst v63  }
0x7f: {  	s12 =	rddreg [dreg:$0x14]  }
0x80: {  	[tilespmem:s12], [sflag:$0x2] =	stream.indirect_vreg.gather [hbm4b:s5+s3], $0x80, v3, vm0, $0xb8;
	[tilespmem:$0x18200] =	vst v63  }
0x81: {  	s11 =	rddreg [dreg:$0x15]  }
0x82: {  	[tilespmem:s11], [sflag:$0x2] =	stream.indirect_vreg.gather [hbm4b:s6+s3], $0x80, v3, vm0, $0xb8;
	[tilespmem:$0x18200] =	vst v63  }
0x83: {  	s12 =	rddreg [dreg:$0x16]  }
0x84: {  	[tilespmem:s12], [sflag:$0x2] =	stream.indirect_vreg.gather [hbm4b:s7+s3], $0x80, v3, vm0, $0xb8;
	[tilespmem:$0x18200] =	vst v63  }
0x85: {  	v3 =	vld [tilespmem:$0x100];
	_ =	sdelay $0x4  }
0x86: {  	v60 =	vshll.u32 v3, $0x3  }
0x87: {  	v3 =	vand.u32 $0x7, v3;
	v4 =	vand.u32 $0xFFFFFFC0, v60  }
0x88: {  	v3 =	vor.u32 v3, v4  }
0x89: {  	v4 =	vperm.xlane v3, v0;
	_ =	sdelay $0x1  }
0x8a: {  	v4 =	vadd.s32 v1, v4;
	_ =	sdelay $0x4  }
0x8b: {  	[tilespmem:s31], [sflag:$0x3] =	stream.indirect_vreg.gather [hbm4b:s1+s3], $0x80, v4, vm0, $0xb8;
	[tilespmem:$0x18200] =	vst v63  }
0x8c: {  	s11 =	rddreg [dreg:$0x17];
	v3 =	vperm.xlane v3, v2  }
0x8d: {  	[tilespmem:s11], [sflag:$0x3] =	stream.indirect_vreg.gather [hbm4b:s5+s3], $0x80, v4, vm0, $0xb8;
	[tilespmem:$0x18200] =	vst v63  }
0x8e: {  	s12 =	rddreg [dreg:$0x18];
	v3 =	vadd.s32 v1, v3  }
0x8f: {  	[tilespmem:s12], [sflag:$0x3] =	stream.indirect_vreg.gather [hbm4b:s6+s3], $0x80, v4, vm0, $0xb8;
	[tilespmem:$0x18200] =	vst v63  }
0x90: {  	s11 =	rddreg [dreg:$0x19]  }
0x91: {  	[tilespmem:s11], [sflag:$0x3] =	stream.indirect_vreg.gather [hbm4b:s7+s3], $0x80, v4, vm0, $0xb8;
	[tilespmem:$0x18200] =	vst v63  }
0x92: {  	s12 =	rddreg [dreg:$0x1a]  }
0x93: {  	[tilespmem:s12], [sflag:$0x3] =	stream.indirect_vreg.gather [hbm4b:s1+s3], $0x80, v3, vm0, $0xb8;
	[tilespmem:$0x18200] =	vst v63  }
0x94: {  	s11 =	rddreg [dreg:$0x1b]  }
0x95: {  	[tilespmem:s11], [sflag:$0x3] =	stream.indirect_vreg.gather [hbm4b:s5+s3], $0x80, v3, vm0, $0xb8;
	[tilespmem:$0x18200] =	vst v63  }
0x96: {  	s12 =	rddreg [dreg:$0x1c]  }
0x97: {  	[tilespmem:s12], [sflag:$0x3] =	stream.indirect_vreg.gather [hbm4b:s6+s3], $0x80, v3, vm0, $0xb8;
	[tilespmem:$0x18200] =	vst v63  }
0x98: {  	s11 =	rddreg [dreg:$0x1d]  }
0x99: {  	[tilespmem:s11], [sflag:$0x3] =	stream.indirect_vreg.gather [hbm4b:s7+s3], $0x80, v3, vm0, $0xb8;
	[tilespmem:$0x18200] =	vst v63  }
0x9a: {  	v3 =	vld [tilespmem:$0x110];
	_ =	sdelay $0x4  }
0x9b: {  	v61 =	vshll.u32 v3, $0x3  }
0x9c: {  	v3 =	vand.u32 $0x7, v3;
	v4 =	vand.u32 $0xFFFFFFC0, v61  }
0x9d: {  	v3 =	vor.u32 v3, v4  }
0x9e: {  	v4 =	vperm.xlane v3, v0;
	_ =	sdelay $0x1  }
0x9f: {  	v4 =	vadd.s32 v1, v4;
	_ =	sdelay $0x2  }
0xa0: {  	s12 =	rddreg [dreg:$0x1f]  }
0xa1: {  	s11 =	rddreg [dreg:$0x1e]  }
0xa2: {  	[tilespmem:s11], [sflag:$0x3] =	stream.indirect_vreg.gather [hbm4b:s1+s3], $0x80, v4, vm0, $0xb8;
	[tilespmem:$0x18200] =	vst v63  }
0xa3: {  	v3 =	vperm.xlane v3, v2;
	s11 =	sld [smem:$0x7F8]  }
0xa4: {  	[tilespmem:s12], [sflag:$0x3] =	stream.indirect_vreg.gather [hbm4b:s5+s3], $0x80, v4, vm0, $0xb8;
	[tilespmem:$0x18200] =	vst v63  }
0xa5: {  	v3 =	vadd.s32 v1, v3;
	s12 =	sld [smem:$0x7F9]  }
0xa6: {  	[tilespmem:s11], [sflag:$0x3] =	stream.indirect_vreg.gather [hbm4b:s6+s3], $0x80, v4, vm0, $0xb8;
	[tilespmem:$0x18200] =	vst v63  }
0xa7: {  	s11 =	sld [smem:$0x7FA]  }
0xa8: {  	[tilespmem:s12], [sflag:$0x3] =	stream.indirect_vreg.gather [hbm4b:s7+s3], $0x80, v4, vm0, $0xb8;
	[tilespmem:$0x18200] =	vst v63  }
0xa9: {  	s12 =	sld [smem:$0x7FB]  }
0xaa: {  	[tilespmem:s11], [sflag:$0x3] =	stream.indirect_vreg.gather [hbm4b:s1+s3], $0x80, v3, vm0, $0xb8;
	[tilespmem:$0x18200] =	vst v63  }
0xab: {  	s11 =	sld [smem:$0x7FC]  }
0xac: {  	[tilespmem:s12], [sflag:$0x3] =	stream.indirect_vreg.gather [hbm4b:s5+s3], $0x80, v3, vm0, $0xb8;
	[tilespmem:$0x18200] =	vst v63  }
0xad: {  	s12 =	sld [smem:$0x7FD]  }
0xae: {  	[tilespmem:s11], [sflag:$0x3] =	stream.indirect_vreg.gather [hbm4b:s6+s3], $0x80, v3, vm0, $0xb8;
	[tilespmem:$0x18200] =	vst v63  }
0xaf: {  	_ = 	snop  }
0xb0: {  	[tilespmem:s12], [sflag:$0x3] =	stream.indirect_vreg.gather [hbm4b:s7+s3], $0x80, v3, vm0, $0xb8;
	[tilespmem:$0x18200] =	vst v63  }
0xb1: {  	_ =	swait.ge [sflag:s29], $0x8000  }
0xb2: {  	s12 =	sld [smem:$0x7F7]  }
0xb3: {  	[sflag:s29] =	ssyncset.done $0x0  }
0xb4: {  	[sflag:s29] =	ssyncadd.s32 $0xFFFF8000  }
0xb5: {  	[hbm4b:s12+s3] =	stream.linear.scatter [tilespmem:s10], [sflag:$0x4], $0x8000, $0x38;
	[tilespmem:$0x18200] =	vst v63  }
0xb6: {  	_ =	swait.ge [sflag:s30], $0x8000  }
0xb7: {  	[sflag:s30] =	ssyncset.done $0x0  }
0xb8: {  	[sflag:s30] =	ssyncadd.s32 $0xFFFF8000  }
0xb9: {  	v3 =	vld [tilespmem:$0x180];
	_ =	sdelay $0x4  }
0xba: {  	v62 =	vshll.u32 v3, $0x3  }
0xbb: {  	v3 =	vand.u32 $0x7, v3;
	v4 =	vand.u32 $0xFFFFFFC0, v62  }
0xbc: {  	v3 =	vor.u32 v3, v4  }
0xbd: {  	v4 =	vperm.xlane v3, v0;
	_ =	sdelay $0x1  }
0xbe: {  	v4 =	vadd.s32 v1, v4;
	_ =	sdelay $0x4  }
0xbf: {  	[tilespmem:s10], [sflag:$0x1] =	stream.indirect_vreg.gather [hbm4b:s1+s3], $0x80, v4, vm0, $0xb8;
	[tilespmem:$0x18200] =	vst v63  }
0xc0: {  	v3 =	vperm.xlane v3, v2  }
0xc1: {  	[tilespmem:s13], [sflag:$0x1] =	stream.indirect_vreg.gather [hbm4b:s5+s3], $0x80, v4, vm0, $0xb8;
	[tilespmem:$0x18200] =	vst v63  }
0xc2: {  	v3 =	vadd.s32 v1, v3  }
0xc3: {  	[tilespmem:s14], [sflag:$0x1] =	stream.indirect_vreg.gather [hbm4b:s6+s3], $0x80, v4, vm0, $0xb8;
	[tilespmem:$0x18200] =	vst v63  }
0xc4: {  	_ = 	snop  }
0xc5: {  	[tilespmem:s15], [sflag:$0x1] =	stream.indirect_vreg.gather [hbm4b:s7+s3], $0x80, v4, vm0, $0xb8;
	[tilespmem:$0x18200] =	vst v63  }
0xc6: {  	_ = 	snop  }
0xc7: {  	[tilespmem:s16], [sflag:$0x1] =	stream.indirect_vreg.gather [hbm4b:s1+s3], $0x80, v3, vm0, $0xb8;
	[tilespmem:$0x18200] =	vst v63  }
0xc8: {  	_ = 	snop  }
0xc9: {  	[tilespmem:s17], [sflag:$0x1] =	stream.indirect_vreg.gather [hbm4b:s5+s3], $0x80, v3, vm0, $0xb8;
	[tilespmem:$0x18200] =	vst v63  }
0xca: {  	_ = 	snop  }
0xcb: {  	[tilespmem:s18], [sflag:$0x1] =	stream.indirect_vreg.gather [hbm4b:s6+s3], $0x80, v3, vm0, $0xb8;
	[tilespmem:$0x18200] =	vst v63  }
0xcc: {  	_ = 	snop  }
0xcd: {  	[tilespmem:s19], [sflag:$0x1] =	stream.indirect_vreg.gather [hbm4b:s7+s3], $0x80, v3, vm0, $0xb8;
	[tilespmem:$0x18200] =	vst v63  }
0xce: {  	v3 =	vld [tilespmem:$0x190];
	_ =	sdelay $0x4  }
0xcf: {  	v63 =	vshll.u32 v3, $0x3  }
0xd0: {  	v3 =	vand.u32 $0x7, v3;
	v4 =	vand.u32 $0xFFFFFFC0, v63  }
0xd1: {  	v3 =	vor.u32 v3, v4  }
0xd2: {  	v4 =	vperm.xlane v3, v0;
	_ =	sdelay $0x1  }
0xd3: {  	v4 =	vadd.s32 v1, v4;
	_ =	sdelay $0x4  }
0xd4: {  	[tilespmem:s20], [sflag:$0x1] =	stream.indirect_vreg.gather [hbm4b:s1+s3], $0x80, v4, vm0, $0xb8;
	[tilespmem:$0x18200] =	vst v63  }
0xd5: {  	v3 =	vperm.xlane v3, v2  }
0xd6: {  	[tilespmem:s21], [sflag:$0x1] =	stream.indirect_vreg.gather [hbm4b:s5+s3], $0x80, v4, vm0, $0xb8;
	[tilespmem:$0x18200] =	vst v63  }
0xd7: {  	v3 =	vadd.s32 v1, v3  }
0xd8: {  	[tilespmem:s22], [sflag:$0x1] =	stream.indirect_vreg.gather [hbm4b:s6+s3], $0x80, v4, vm0, $0xb8;
	[tilespmem:$0x18200] =	vst v63  }
0xd9: {  	_ = 	snop  }
0xda: {  	[tilespmem:s23], [sflag:$0x1] =	stream.indirect_vreg.gather [hbm4b:s7+s3], $0x80, v4, vm0, $0xb8;
	[tilespmem:$0x18200] =	vst v63  }
0xdb: {  	_ = 	snop  }
0xdc: {  	[tilespmem:s24], [sflag:$0x1] =	stream.indirect_vreg.gather [hbm4b:s1+s3], $0x80, v3, vm0, $0xb8;
	[tilespmem:$0x18200] =	vst v63  }
0xdd: {  	_ = 	snop  }
0xde: {  	[tilespmem:s25], [sflag:$0x1] =	stream.indirect_vreg.gather [hbm4b:s5+s3], $0x80, v3, vm0, $0xb8;
	[tilespmem:$0x18200] =	vst v63  }
0xdf: {  	_ = 	snop  }
0xe0: {  	[tilespmem:s26], [sflag:$0x1] =	stream.indirect_vreg.gather [hbm4b:s6+s3], $0x80, v3, vm0, $0xb8;
	[tilespmem:$0x18200] =	vst v63  }
0xe1: {  	s12 =	simm.s32 $0x2  }
0xe2: {  	[tilespmem:s28], [sflag:$0x1] =	stream.indirect_vreg.gather [hbm4b:s7+s3], $0x80, v3, vm0, $0xb8;
	[tilespmem:$0x18200] =	vst v63  }
0xe3: {  	_ =	swait.ge [sflag:s12], $0x8000  }
0xe4: {  	[sflag:s12] =	ssyncset.done $0x0  }
0xe5: {  	s11 =	rddreg [dreg:$0x5];
	[sflag:s12] =	ssyncadd.s32 $0xFFFF8000  }
0xe6: {  	[hbm4b:s11+s3] =	stream.linear.scatter [tilespmem:s9], [sflag:$0x5], $0x8000, $0x38;
	[tilespmem:$0x18200] =	vst v63  }
0xe7: {  	_ =	swait.ge [sflag:s2], $0x8000  }
0xe8: {  	[sflag:s2] =	ssyncset.done $0x0  }
0xe9: {  	s9 =	rddreg [dreg:$0x6];
	[sflag:s2] =	ssyncadd.s32 $0xFFFF8000  }
0xea: {  	[hbm4b:s9+s3] =	stream.linear.scatter [tilespmem:s31], [sflag:$0x6], $0x8000, $0x38;
	[tilespmem:$0x18200] =	vst v63  }
0xeb: {  	_ =	swait.ge [sflag:s29], $0x8000  }
0xec: {  	[sflag:s29] =	ssyncset.done $0x0  }
0xed: {  	s12 =	rddreg [dreg:$0x7];
	[sflag:s29] =	ssyncadd.s32 $0xFFFF8000  }
0xee: {  	[hbm4b:s12+s3] =	stream.linear.scatter [tilespmem:s10], [sflag:$0x4], $0x8000, $0x38;
	[tilespmem:$0x18200] =	vst v63  }
0xef: {  	_ =	swait.ge [sflag:s0], $0x8000  }
0xf0: {  	[sflag:s0] =	ssyncset.done $0x0  }
0xf1: {  	[sflag:s0] =	ssyncadd.s32 $0xFFFF8000  }
0xf2: {  	p0 =	sne.s32 s8, $0x1;
	_ =	swait.ge [sflag:s4], $0x8000  }
.Ltmp0:
0xf3: {  	[sflag:s4] =	ssyncset.done $0x0;
	(pc) =	sbr.rel @p0 .LBB2_1-.Ltmp0, $4  }
0xf4: {  	[sflag:s4] =	ssyncadd.s32 $0xFFFF8000  }
0xf5: {  	_ =	swait.ge [sflag:s30], $0x8000  }
0xf6: {  	[sflag:s30] =	ssyncset.done $0x0  }
0xf7: {  	s8 =	sadd.s32 $0xFFFFFFFF, s8;
	[sflag:s30] =	ssyncadd.s32 $0xFFFF8000  }
0xf8: {  	_ =	sfence.sel $0x180000  }
0xf9: {  	[bflag:$0x0] =	sbarrier.arrive $0xFFFF  }
0xfa: {  	_ =	strace $0x90000047  }
0xfb: {  	s0 =	stileid.u32;
	[bflag:$0x2] =	sbarrier.arrive $0xFFFF  }
0xfc: {  	p0 =	sne.s32 s0, $0x0;
	s0 =	rddreg [dreg:$0x3]  }
0xfd: {  	s0 =	sadd.s32 @!p0 $0x100000, s0  }
0xfe: {  	[sflag:s0] =	ssyncadd.tile.s32 @!p0 $0x1;
	_ =	shalt  }
.Lfunc_end2:
_tile_overlayer_lowered:
.L_overlay_start_2:
0xff: {  	(tag) =	ssettag $0x2  }
0x100: {  	s0 =	rddreg [dreg:$0x0];
	s2 =	stileid.u32  }
0x101: {  	s1 =	rddreg [dreg:$0x1];
	p0 =	sne.s32 s2, $0x0  }
0x102: {  	s3 =	rddreg [dreg:$0x2];
	[bflag:$0x3] =	sbarrier.arrive $0xFFFF;
	s2 =	simm.s32 @!p0 $0x1C07  }
0x103: {  	[timem:s3], [sflag:s2] =	dma.local @!p0 [hbm:s0], s1  }
0x104: {  	s0 =	simm.s32 @!p0 $0x7  }
0x105: {  	_ =	swait.ge @!p0 [sflag:s0], s1  }
0x106: {  	s1 =	ssub.s32 @!p0 $0x0, s1;
	[sflag:s0] =	ssyncset.done @!p0 $0x0  }
0x107: {  	[sflag:s0] =	ssyncadd.s32 @!p0 s1  }
0x108: {  	[bflag:$0x3] =	sbarrier.arrive $0xFFFF  }
0x109: {  	_ =	shalt  }

</sc_bundles>
